<compile_context>
chip_gen: v7x
topology: tpu7x:2x2x1
jax: 0.10.2.dev20260603
libtpu: 0.0.44.dev20260713+nightly
codegen_flags: <defaults>
</compile_context>

<pallas_src>
import functools

import jax
import jax.numpy as jnp
from jax import lax
from jax.experimental import pallas as pl
from jax.experimental.pallas import tpu as pltpu
from jax.experimental.pallas import tpu_sc as plsc


def _fc1_tables_kernel(x_ref, w1_ref, b1_ref, cb_ref, tab_ref, acc_ref, *,
                       nsteps, in_dim):
    k = pl.program_id(0)

    @pl.when(k == 0)
    def _init():
        acc_ref[...] = jnp.zeros_like(acc_ref)

    kblk = x_ref.shape[1]
    limit = in_dim - k * kblk
    lane = jax.lax.broadcasted_iota(jnp.int32, (1, kblk), 1)
    valid = lane < limit
    xb = jnp.where(valid, x_ref[...], 0.0).astype(jnp.bfloat16)
    wb = jnp.where(valid, w1_ref[...], 0.0).astype(jnp.bfloat16)
    acc_ref[...] += jax.lax.dot_general(
        xb, wb, (((1,), (1,)), ((), ())), preferred_element_type=jnp.float32)

    @pl.when(k == nsteps - 1)
    def _finish():
        h = jnp.maximum(acc_ref[...] + b1_ref[...], 0.0)
        dim, _, sub = cb_ref.shape
        tabs = []
        for d in range(dim):
            hd = h[:, d * sub:(d + 1) * sub]
            tabs.append(jax.lax.dot_general(
                hd, cb_ref[d], (((1,), (1,)), ((), ())),
                preferred_element_type=jnp.float32))
        tab_ref[...] = jnp.stack(tabs, axis=0).astype(jnp.bfloat16)


def _vq_logsoftmax_kernel(tab_ref, codes_ref, out_ref):
    dim, _, ks = tab_ref.shape
    oblk = out_ref.shape[1]
    kk = jax.lax.broadcasted_iota(jnp.int32, (ks, oblk), 0)
    c = codes_ref[0]
    acc = None
    for d in range(dim):
        onehot = (kk == c[d:d + 1, :]).astype(jnp.bfloat16)
        part = jax.lax.dot_general(
            tab_ref[d], onehot, (((1,), (0,)), ((), ())),
            preferred_element_type=jnp.float32)
        acc = part if acc is None else acc + part
    lse = jnp.log(jnp.sum(jnp.exp(acc), axis=0, keepdims=True))
    out_ref[...] = acc - lse


def _copy_probe(x_ref, out_ref):
    out_ref[...] = x_ref[...] + 1.0


def _sc_copy(x, rows_per_worker):
    B, in_dim = x.shape
    mesh = plsc.VectorSubcoreMesh(core_axis_name="c", subcore_axis_name="s")

    @functools.partial(
        pl.kernel, mesh=mesh,
        out_type=jax.ShapeDtypeStruct((B, in_dim), jnp.float32),
        scratch_types=[pltpu.VMEM((1, in_dim), jnp.float32)],
    )
    def k(x_hbm, out_hbm, row_v):
        wid = lax.axis_index("s") * 2 + lax.axis_index("c")
        base = wid * rows_per_worker

        def body(i, _):
            pltpu.sync_copy(x_hbm.at[pl.ds(base + i, 1)], row_v)
            pltpu.sync_copy(row_v, out_hbm.at[pl.ds(base + i, 1)])
            return 0

        lax.fori_loop(0, rows_per_worker, body, 0)

    return k(x)


def kernel(x, W1, b1, codebooks, codes, b2):
    B, in_dim = x.shape
    if True:
        kblk = 2048
        nsteps = (in_dim + kblk - 1) // kblk
        tc_out = pl.pallas_call(
            _copy_probe,
            grid=(nsteps,),
            in_specs=[pl.BlockSpec((B, kblk), lambda k: (0, k))],
            out_specs=pl.BlockSpec((B, kblk), lambda k: (0, k)),
            out_shape=jax.ShapeDtypeStruct((B, in_dim), jnp.float32),
            compiler_params=pltpu.CompilerParams(
                dimension_semantics=("arbitrary",)),
        )(x)
        sc_out = _sc_copy(x, B // 32)
        return (tc_out, sc_out)
    hidden = W1.shape[0]
    dim, ks, sub = codebooks.shape
    out_dim = codes.shape[0]

    kblk = 4096
    nsteps = (in_dim + kblk - 1) // kblk
    tab = pl.pallas_call(
        functools.partial(_fc1_tables_kernel, nsteps=nsteps, in_dim=in_dim),
        grid=(nsteps,),
        in_specs=[
            pl.BlockSpec((B, kblk), lambda k: (0, k)),
            pl.BlockSpec((hidden, kblk), lambda k: (0, k)),
            pl.BlockSpec((1, hidden), lambda k: (0, 0)),
            pl.BlockSpec((dim, ks, sub), lambda k: (0, 0, 0)),
        ],
        out_specs=pl.BlockSpec((dim, B, ks), lambda k: (0, 0, 0)),
        out_shape=jax.ShapeDtypeStruct((dim, B, ks), jnp.bfloat16),
        scratch_shapes=[pltpu.VMEM((B, hidden), jnp.float32)],
        compiler_params=pltpu.CompilerParams(
            dimension_semantics=("arbitrary",)),
    )(x, W1, b1.reshape(1, hidden), codebooks)

    oblk = 4096
    nb = (out_dim + oblk - 1) // oblk
    pad = nb * oblk - out_dim
    codes_t = jnp.pad(codes.T, ((0, 0), (0, pad)))
    codes3 = codes_t.reshape(dim, nb, oblk).transpose(1, 0, 2)
    out = pl.pallas_call(
        _vq_logsoftmax_kernel,
        grid=(nb,),
        in_specs=[
            pl.BlockSpec((dim, B, ks), lambda k: (0, 0, 0)),
            pl.BlockSpec((1, dim, oblk), lambda k: (k, 0, 0)),
        ],
        out_specs=pl.BlockSpec((B, oblk), lambda k: (0, k)),
        out_shape=jax.ShapeDtypeStruct((B, out_dim), jnp.float32),
        compiler_params=pltpu.CompilerParams(
            dimension_semantics=("parallel",)),
    )(tab, codes3)
    return out

# --- scband reference (transcript-rebuilt; emitter-appended) ---
"""Pipeline reference for scband-xmlmodel-54073638256944 (READ-ONLY COPY).

The authoritative reference and input builder live on the scoring server;
editing this copy changes nothing except your own understanding.
"""

import jax, jax.numpy as jnp
import numpy as np

B = 1024
IN_DIM = 100000
HIDDEN = 256
OUT_DIM = 100000
KS = 256
DIM = 2
SUB = HIDDEN // DIM


def setup_inputs(seed: int = 0) -> dict:
    key = jax.random.key(seed)
    ks = jax.random.split(key, 6)
    x = jax.random.uniform(ks[0], (B, IN_DIM), dtype=jnp.float32)
    W1 = jax.random.normal(ks[1], (HIDDEN, IN_DIM), dtype=jnp.float32) * 0.01
    b1 = jnp.zeros((HIDDEN,), dtype=jnp.float32)
    codebooks = jax.random.normal(ks[2], (DIM, KS, SUB), dtype=jnp.float32) * 0.05
    codes = jax.random.randint(ks[3], (OUT_DIM, DIM), 0, KS, dtype=jnp.int32)
    b2 = jnp.zeros((OUT_DIM,), dtype=jnp.float32)
    return {"x": x, "W1": W1, "b1": b1, "codebooks": codebooks, "codes": codes, "b2": b2}


def reference(x, W1, b1, codebooks, codes, b2):
    # fc1: SparseLinear -> spmm(x, W1.T) + b1 (dense math is identical)
    h = x @ W1.T + b1
    h = jax.nn.relu(h)
    # fc2: VQLinear (product-quantized linear): split hidden into DIM subspaces,
    # build per-subspace inner-product tables against KS centroids, then gather
    # per-label codes and accumulate.
    xs = h.reshape(h.shape[0], DIM, SUB)
    tables = jnp.einsum('bds,dks->bdk', xs, codebooks)  # [B, DIM, KS]
    acc = jnp.zeros((h.shape[0], OUT_DIM), dtype=jnp.float32)
    for d in range(DIM):
        acc = acc + jnp.take(tables[:, d, :], codes[:, d], axis=1)
    logits = acc + b2
    # original: torch.log_softmax(x, dim=0) -> over the batch axis
    return jax.nn.log_softmax(logits, axis=0)

if __name__ == "__main__":
    import jax
    _d = setup_inputs()
    print(jax.jit(kernel)(*tuple(_d.values())))

</pallas_src>

<mosaic_0001>
#map = affine_map<(d0, d1) -> (0, 0)>
module attributes {stable_mosaic.version = 14 : i64} {
  func.func @k(%arg0: i32, %arg1: i32, %arg2: memref<1024x100000xf32, #tpu.memory_space<hbm>>, %arg3: memref<1024x100000xf32, #tpu.memory_space<hbm>>, %arg4: memref<1x100000xf32, #tpu.memory_space<vmem>>) attributes {dimension_semantics = [#tpu.dimension_semantics<core_parallel>, #tpu.dimension_semantics<subcore_parallel>], iteration_bounds = array<i64: 2, 16>, scalar_prefetch = 0 : i64, scratch_operands = 1 : i64, tpu.core_type = #tpu.core_type<sc_vector_subcore>, window_params = [{transform_indices = #map}, {transform_indices = #map}]} {
    %mul3A = arith.constant 2 : i32
    %mul3A_0 = arith.muli %arg1, %mul3A : i32
    %add3A = arith.addi %mul3A_0, %arg0 : i32
    %mul3A_1 = arith.constant 32 : i32
    %mul3A_2 = arith.muli %add3A, %mul3A_1 : i32
    %scan3A = arith.constant 0 : i32
    %scan3A_3 = arith.constant 0 : i32
    %scan3A_4 = arith.constant 32 : i32
    %scan3A_5 = arith.addi %scan3A_3, %scan3A_4 : i32
    %scan3A_6 = arith.constant 1 : i32
    %scan3A_7 = scf.for %scan3A_9 = %scan3A_3 to %scan3A_5 step %scan3A_6 iter_args(%scan3A_10 = %scan3A) -> (i32)  : i32 {
      %add3A_11 = arith.addi %mul3A_2, %scan3A_9 : i32
      "tpu.region"() ({
        %run_scoped3A = tpu.sem_alloc : memref<!tpu.dma_semaphore, #tpu.memory_space<semaphore_mem>>
        %dma_start3A = arith.constant 0 : i32
        %dma_start3A_14 = tpu.memref_slice %arg2[%add3A_11, %dma_start3A] : memref<1024x100000xf32, #tpu.memory_space<hbm>> -> memref<1x100000xf32, #tpu.memory_space<hbm>>
        %dma_start3A_15 = arith.constant 0 : i32
        %dma_start3A_16 = tpu.memref_slice %arg2[%add3A_11, %dma_start3A_15] : memref<1024x100000xf32, #tpu.memory_space<hbm>> -> memref<1x100000xf32, #tpu.memory_space<hbm>>
        tpu.enqueue_dma source(%dma_start3A_16 : memref<1x100000xf32, #tpu.memory_space<hbm>>) target(%arg4 : memref<1x100000xf32, #tpu.memory_space<vmem>>) target_semaphore(%run_scoped3A : memref<!tpu.dma_semaphore, #tpu.memory_space<semaphore_mem>>)
        %dma_wait3A = arith.constant 0 : i32
        %dma_wait3A_17 = tpu.memref_slice %arg2[%add3A_11, %dma_wait3A] : memref<1024x100000xf32, #tpu.memory_space<hbm>> -> memref<1x100000xf32, #tpu.memory_space<hbm>>
        %dma_wait3A_18 = arith.constant 0 : i32
        %dma_wait3A_19 = tpu.memref_slice %arg2[%add3A_11, %dma_wait3A_18] : memref<1024x100000xf32, #tpu.memory_space<hbm>> -> memref<1x100000xf32, #tpu.memory_space<hbm>>
        tpu.wait_dma2 semaphore(%run_scoped3A : memref<!tpu.dma_semaphore, #tpu.memory_space<semaphore_mem>>) src(%dma_wait3A_19 : memref<1x100000xf32, #tpu.memory_space<hbm>>) dst(%arg4 : memref<1x100000xf32, #tpu.memory_space<vmem>>)
        tpu.yield
      }) : () -> ()
      %add3A_12 = arith.addi %mul3A_2, %scan3A_9 : i32
      "tpu.region"() ({
        %run_scoped3A = tpu.sem_alloc : memref<!tpu.dma_semaphore, #tpu.memory_space<semaphore_mem>>
        %dma_start3A = arith.constant 0 : i32
        %dma_start3A_14 = tpu.memref_slice %arg3[%add3A_12, %dma_start3A] : memref<1024x100000xf32, #tpu.memory_space<hbm>> -> memref<1x100000xf32, #tpu.memory_space<hbm>>
        %dma_start3A_15 = arith.constant 0 : i32
        %dma_start3A_16 = tpu.memref_slice %arg3[%add3A_12, %dma_start3A_15] : memref<1024x100000xf32, #tpu.memory_space<hbm>> -> memref<1x100000xf32, #tpu.memory_space<hbm>>
        tpu.enqueue_dma source(%arg4 : memref<1x100000xf32, #tpu.memory_space<vmem>>) target(%dma_start3A_16 : memref<1x100000xf32, #tpu.memory_space<hbm>>) target_semaphore(%run_scoped3A : memref<!tpu.dma_semaphore, #tpu.memory_space<semaphore_mem>>)
        %dma_wait3A = arith.constant 0 : i32
        %dma_wait3A_17 = tpu.memref_slice %arg3[%add3A_12, %dma_wait3A] : memref<1024x100000xf32, #tpu.memory_space<hbm>> -> memref<1x100000xf32, #tpu.memory_space<hbm>>
        %dma_wait3A_18 = arith.constant 0 : i32
        %dma_wait3A_19 = tpu.memref_slice %arg3[%add3A_12, %dma_wait3A_18] : memref<1024x100000xf32, #tpu.memory_space<hbm>> -> memref<1x100000xf32, #tpu.memory_space<hbm>>
        tpu.wait_dma2 semaphore(%run_scoped3A : memref<!tpu.dma_semaphore, #tpu.memory_space<semaphore_mem>>) src(%arg4 : memref<1x100000xf32, #tpu.memory_space<vmem>>) dst(%dma_wait3A_19 : memref<1x100000xf32, #tpu.memory_space<hbm>>)
        tpu.yield
      }) : () -> ()
      %scan3A_13 = arith.constant 0 : i32
      scf.yield %scan3A_13 : i32
    }
    %scan3A_8 = arith.constant 32 : i32
    return
  }
}

module attributes {stable_mosaic.version = 14 : i64} {
  func.func @_copy_probe(%arg0: i32, %arg1: memref<1024x2048xf32, #tpu.memory_space<vmem>>, %arg2: memref<1024x2048xf32, #tpu.memory_space<vmem>>) attributes {dimension_semantics = [#tpu.dimension_semantics<arbitrary>], iteration_bounds = array<i64: 49>, scalar_prefetch = 0 : i64, scratch_operands = 0 : i64, tpu.core_type = #tpu.core_type<tc>, window_params = [{transform_indices = @transform_0, window_bounds = array<i64: 1024, 2048>}, {transform_indices = @transform_1, window_bounds = array<i64: 1024, 2048>}]} {
    %get3A = arith.constant 0 : index
    %get3A_0 = arith.constant 0 : index
    %get3A_1 = vector.load %arg1[%get3A, %get3A_0] : memref<1024x2048xf32, #tpu.memory_space<vmem>>, vector<1024x2048xf32>
    %add3A = arith.constant 1.000000e+00 : f32
    %add3A_2 = vector.broadcast %add3A : f32 to vector<1024x2048xf32>
    %add3A_3 = arith.addf %get3A_1, %add3A_2 : vector<1024x2048xf32>
    %swap3A = arith.constant 0 : index
    %swap3A_4 = arith.constant 0 : index
    %swap3A_5 = vector.load %arg2[%swap3A, %swap3A_4] : memref<1024x2048xf32, #tpu.memory_space<vmem>>, vector<1024x2048xf32>
    tpu.vector_store %arg2[%swap3A, %swap3A_4], %add3A_3 {strides = array<i32>} : memref<1024x2048xf32, #tpu.memory_space<vmem>>, vector<1024x2048xf32>,
    return
  }
  func.func @transform_0(%arg0: i32) -> (i32, i32) {
    %c0_i32 = arith.constant 0 : i32
    %c0_i32_0 = arith.constant 0 : i32
    return %c0_i32, %arg0 : i32, i32
  }
  func.func @transform_1(%arg0: i32) -> (i32, i32) {
    %c0_i32 = arith.constant 0 : i32
    %c0_i32_0 = arith.constant 0 : i32
    return %c0_i32, %arg0 : i32, i32
  }
}

</mosaic_0001>

<sc_bundles>
// kernel: kernel.4.cloned.1.call-start
scs
__scs_entry_jumppad:
0x0: {  	(pc) =	sbr.rel $0x88, $3  }
0x1: {  	(tag) =	ssettag $0x0;
	lr =	simm.s32 $0x1  }
0x2: {  	[smem:$0x3FA0] =	sst lr;
	_ =	strace $0xD0000000  }
0x3: {  	_ = 	snop  }
0x4: {  	_ = 	snop  }
0x5: {  	_ = 	snop  }
0x6: {  	_ = 	snop  }
0x7: {  	_ = 	snop  }
__scs_overlays_trampoline_lowered:
0x8: {  	[smem:$0x3FAF] =	sst s0  }
0x9: {  	[smem:$0x3FB0] =	sst s1  }
0xa: {  	[smem:$0x3FB1] =	sst s2  }
0xb: {  	[smem:$0x3FB2] =	sst s3  }
0xc: {  	[smem:$0x3FB3] =	sst s4  }
0xd: {  	[smem:$0x3FB4] =	sst s5  }
0xe: {  	[smem:$0x3FB5] =	sst s6  }
0xf: {  	[smem:$0x3FB6] =	sst s7  }
0x10: {  	[smem:$0x3FB7] =	sst s8  }
0x11: {  	[smem:$0x3FB8] =	sst s9;
	s0 =	simm.s32 @!p0 $0x0  }
0x12: {  	s1 =	sld [smem:$0x3F9E];
	s0 =	simm.s32 @p0 $0x1  }
0x13: {  	[smem:$0x3FB9] =	sst s0;
	s0 =	simm.s32 @!p1 $0x0  }
0x14: {  	s2 =	sld [smem:$0x3F9D];
	s0 =	simm.s32 @p1 $0x1  }
0x15: {  	[smem:$0x3FBA] =	sst s0;
	s0 =	simm.s32 @!p2 $0x0  }
0x16: {  	s3 =	sld [smem:$0x3FDB];
	s0 =	simm.s32 @p2 $0x1  }
0x17: {  	s4 =	simm.s32 $0x1BF5;
	[smem:$0x3FBC] =	sst s0  }
0x18: {  	s0 =	sld [smem:$0x3F9F];
	_ =	swait.ge [sflag:s4], $0x0  }
0x19: {  	s7 =	sld [smem:$0x3FA0]  }
0x1a: {  	s8 =	sadd.s32 $0xFFFFE003, lr  }
0x1b: {  	s9 =	sadd.s32 $0xFFFFFEF7, lr;
	s5 =	simm.s32 $0xFFFFFFFF;
	p2 =	slt.u32 s8, $0xFFFFF086  }
0x1c: {  	p1 =	slt.u32 s9, $0xF7A;
	s5 =	simm.s32 @!p2 $0x0  }
0x1d: {  	s5 =	simm.s32 @p1 $0x1;
	p0 =	seq.s32 s7, s2  }
0x1e: {  	s7 =	smul.u32 @!p0 $0xF7A, s2;
	p2 =	seq.s32 @!p0 s5, $0x0  }
0x1f: {  	s9 =	smul.u32 $0xF7A, s1;
	s8 =	simm.s32 @!p0 $0x1BF5;
	p2 =	por !p2, p0  }
0x20: {  	[sflag:s8] =	ssyncset.s32 @!p0 $0xFFFFF086;
	s6 =	sadd.s32 @!p0 s3, s7;
	s7 =	simm.s32 @!p0 $0x108  }
0x21: {  	s3 =	sadd.s32 s3, s9;
	s6 =	sadd.s32 @!p0 $0x88, s6;
	s7 =	simm.s32 @p2 $0x1082  }
0x22: {  	[simem:s7], [sflag:s8] =	dma.local @!p0 [hbm:s6], $0xF7A  }
0x23: {  	s9 =	sor.u32 $0xD0000000, s2;
	s6 =	simm.s32 $0x108;
	_ =	swait.ge @!p0 [sflag:s8], $0x0  }
0x24: {  	s3 =	sadd.s32 $0x88, s3;
	s6 =	simm.s32 @!p1 $0x1082;
	[sflag:s4] =	ssyncset.s32 $0xFFFFF086  }
0x25: {  	[simem:s6], [sflag:s4] =	dma.local [hbm:s3], $0xF7A  }
0x26: {  	[smem:$0x3FA0] =	sst s1;
	(tag) =	ssettag s2;
	_ =	strace s9  }
0x27: {  	s1 =	sld [smem:$0x3FB0]  }
0x28: {  	s2 =	sld [smem:$0x3FB1]  }
0x29: {  	s4 =	sld [smem:$0x3FB3]  }
0x2a: {  	p0 =	seq.s32 s5, $0x0;
	s5 =	sld [smem:$0x3FB4]  }
0x2b: {  	s6 =	sld [smem:$0x3FB5]  }
0x2c: {  	s7 =	sld [smem:$0x3FB6]  }
0x2d: {  	s3 =	simm.s32 $0x108;
	s8 =	sld [smem:$0x3FB7]  }
0x2e: {  	s3 =	simm.s32 @!p0 $0x1082;
	s9 =	sld [smem:$0x3FB8]  }
0x2f: {  	lr =	sadd.s32 s0, s3;
	s0 =	sld [smem:$0x3FAF]  }
0x30: {  	s3 =	sld [smem:$0x3FB2]  }
0x31: {  	[smem:$0x3FBB] =	sst s10  }
0x32: {  	s10 =	sld [smem:$0x3FB9];
	_ =	sdelay $0x3  }
0x33: {  	p0 =	seq.s32 s10, $0x1;
	s10 =	sld [smem:$0x3FBB];
	_ =	sdelay $0x3  }
0x34: {  	[smem:$0x3FBB] =	sst s10  }
0x35: {  	s10 =	sld [smem:$0x3FBA];
	_ =	sdelay $0x3  }
0x36: {  	p1 =	seq.s32 s10, $0x1;
	s10 =	sld [smem:$0x3FBB];
	_ =	sdelay $0x3  }
0x37: {  	[smem:$0x3FBB] =	sst s10  }
0x38: {  	s10 =	sld [smem:$0x3FBC]  }
0x39: {  	_ = 	snop;
	(pc) =	sbr.ind lr, $3  }
0x3a: {  	_ = 	snop  }
0x3b: {  	_ = 	snop  }
0x3c: {  	p2 =	seq.s32 s10, $0x1;
	s10 =	sld [smem:$0x3FBB]  }
0x3d: {  	_ =	shalt  }
0x3e: {  	_ =	shalt  }
0x3f: {  	_ =	shalt  }
0x40: {  	_ =	shalt  }
0x41: {  	_ =	shalt  }
0x42: {  	_ =	shalt  }
0x43: {  	_ =	shalt  }
0x44: {  	_ =	shalt  }
0x45: {  	_ =	shalt  }
0x46: {  	_ =	shalt  }
0x47: {  	_ =	shalt  }
0x48: {  	_ =	shalt  }
0x49: {  	_ =	shalt  }
0x4a: {  	_ =	shalt  }
0x4b: {  	_ =	shalt  }
0x4c: {  	_ =	shalt  }
0x4d: {  	_ =	shalt  }
0x4e: {  	_ =	shalt  }
0x4f: {  	_ =	shalt  }
0x50: {  	_ =	shalt  }
0x51: {  	_ =	shalt  }
0x52: {  	_ =	shalt  }
0x53: {  	_ =	shalt  }
0x54: {  	_ =	shalt  }
0x55: {  	_ =	shalt  }
0x56: {  	_ =	shalt  }
0x57: {  	_ =	shalt  }
0x58: {  	_ =	shalt  }
0x59: {  	_ =	shalt  }
0x5a: {  	_ =	shalt  }
0x5b: {  	_ =	shalt  }
0x5c: {  	_ =	shalt  }
0x5d: {  	_ =	shalt  }
0x5e: {  	_ =	shalt  }
0x5f: {  	_ =	shalt  }
0x60: {  	_ =	shalt  }
0x61: {  	_ =	shalt  }
0x62: {  	_ =	shalt  }
0x63: {  	_ =	shalt  }
0x64: {  	_ =	shalt  }
0x65: {  	_ =	shalt  }
0x66: {  	_ =	shalt  }
0x67: {  	_ =	shalt  }
0x68: {  	_ =	shalt  }
0x69: {  	_ =	shalt  }
0x6a: {  	_ =	shalt  }
0x6b: {  	_ =	shalt  }
0x6c: {  	_ =	shalt  }
0x6d: {  	_ =	shalt  }
0x6e: {  	_ =	shalt  }
0x6f: {  	_ =	shalt  }
0x70: {  	_ =	shalt  }
0x71: {  	_ =	shalt  }
0x72: {  	_ =	shalt  }
0x73: {  	_ =	shalt  }
0x74: {  	_ =	shalt  }
0x75: {  	_ =	shalt  }
0x76: {  	_ =	shalt  }
0x77: {  	_ =	shalt  }
0x78: {  	_ =	shalt  }
0x79: {  	_ =	shalt  }
0x7a: {  	_ =	shalt  }
0x7b: {  	_ =	shalt  }
0x7c: {  	_ =	shalt  }
0x7d: {  	_ =	shalt  }
0x7e: {  	_ =	shalt  }
0x7f: {  	_ =	shalt  }
0x80: {  	_ =	shalt  }
0x81: {  	_ =	shalt  }
0x82: {  	_ =	shalt  }
0x83: {  	_ =	shalt  }
0x84: {  	_ =	shalt  }
0x85: {  	_ =	shalt  }
0x86: {  	_ =	shalt  }
0x87: {  	_ =	shalt  }
.Lfunc_end0:
.L_simem_size_0:
called_computation_lowered:
.L_overlay_start_0:
0x88: {  	s2 =	sld [smem:$0x3FD9]  }
0x89: {  	s3 =	sld [smem:$0x3FFE];
	_ =	sdelay $0x1  }
0x8a: {  	s1 =	srdreg.scid  }
0x8b: {  	s0 =	sand.u32 $0x1, s1  }
0x8c: {  	s16 =	sshll.u32 s0, $0xA;
	s2 =	sadd.s32 s3, s2  }
0x8d: {  	s2 =	sadd.s32 s2, s16  }
0x8e: {  	[smem:$0x3FC7] =	sst s2  }
0x8f: {  	_ = 	snop  }
0x90: {  	(tm) =	ssettm $0x1  }
0x91: {  	s17 =	sld [smem:$0x3FFB];
	_ =	sdelay $0x3  }
0x92: {  	_ =	strace s17  }
0x93: {  	s2 =	sld [smem:$0x3FFC];
	_ =	sdelay $0x3  }
0x94: {  	_ =	strace s2  }
0x95: {  	s2 =	sld [smem:$0x3FFD];
	_ =	sdelay $0x3  }
0x96: {  	_ =	strace s2  }
0x97: {  	_ =	strace $0x8FFFFFFF  }
0x98: {  	s18 =	sld [smem:$0x3FDB];
	_ =	sdelay $0x1  }
0x99: {  	s19 =	simm.s32 $_scs_section_size  }
0x9a: {  	s4 =	simm.s32 $_size__tile_overlayer_lowered;
	s5 =	simm.s32 $_tile_overlayer_lowered  }
0x9b: {  	s22 =	simm.s32 $0x1BFF;
	s21 =	sshll.u32 s5, $0x1;
	s2 =	sadd.s32 s19, s18  }
0x9c: {  	s6 =	simm.s32 $0x0;
	s20 =	sshll.u32 s4, $0x1;
	s4 =	sadd.s32 s21, s2  }
0x9d: {  	[timem:s6], [sflag:s22] =	dma.local [hbm:s4], s20  }
0x9e: {  	_ =	swait.ge [sflag:s22], s20  }
0x9f: {  	s3 =	ssub.s32 $0x0, s20;
	[sflag:s22] =	ssyncset.done $0x0  }
0xa0: {  	[sflag:s22] =	ssyncadd.s32 s3;
	_ =	sdelay $0x1  }
0xa1: {  	s23 =	simm.s32 $0x1B8B  }
0xa2: {  	_ =	swait.ge [sflag:s23], $0x1  }
0xa3: {  	[sflag:s23] =	ssyncset.done $0x0  }
0xa4: {  	s25 =	simm.s32 $0x1B8E;
	s24 =	sld [smem:$0x3FFE];
	[sflag:s23] =	ssyncadd.s32 $0xFFFFFFFF  }
0xa5: {  	s26 =	simm.s32 $execute0_lowered;
	[smem:$0x3FD2] =	sst s25  }
0xa6: {  	s4 =	sshll.u32 s26, $0x1;
	_ =	strace $0x80000046;
	[dreg:$0x1] =	wrdreg $0xFFFFFFFF  }
0xa7: {  	s28 =	simm.s32 $_size_execute0_lowered;
	s2 =	sadd.s32 s2, s4;
	[dreg:$0x0] =	wrdreg $0x0  }
0xa8: {  	s4 =	sshll.u32 s28, $0x1;
	[dreg:$0x2] =	wrdreg s2  }
0xa9: {  	[dreg:$0x3] =	wrdreg s4  }
0xaa: {  	[dreg:$0x4] =	wrdreg $0xC0  }
0xab: {  	_ =	task [dreg:s6], $0x5FFFF  }
0xac: {  	[dreg:$0x1] =	wrdreg $0xFFFFFFFF  }
0xad: {  	[dreg:$0x0] =	wrdreg $0x60  }
0xae: {  	[dreg:$0x2] =	wrdreg s24  }
0xaf: {  	[dreg:$0x3] =	wrdreg $0x9  }
0xb0: {  	_ =	task.clear_ibuf [dreg:s6], $0x4FFFF;
	_ =	strace $0x90000046  }
0xb1: {  	s29 =	simm.s32 $0x9;
	_ =	strace $0x80000048  }
0xb2: {  	_ =	swait.ge [sflag:s29], $0x1  }
0xb3: {  	[sflag:s29] =	ssyncadd.s32 $0xFFFFFFFF  }
0xb4: {  	_ =	strace $0x90000048  }
0xb5: {  	_ =	sfence  }
0xb6: {  	s30 =	sld [smem:$0x0];
	_ =	sdelay $0x2  }
0xb7: {  	s31 =	sshll.u32 s1, $0xD;
	s1 =	sshrl.u32 s1, $0x2  }
0xb8: {  	s3 =	sand.u32 $0x4000, s31;
	s1 =	sadd.s32 s1, s30  }
0xb9: {  	s0 =	sor.u32 s3, s0;
	s1 =	sshll.u32 s1, $0x11  }
0xba: {  	s0 =	sor.u32 s1, s0  }
0xbb: {  	s0 =	sadd.s32 $0x8F2B, s0  }
0xbc: {  	[sflag:s0] =	ssyncadd.remote.s32 $0x1  }
0xbd: {  	_ =	sfence.sel $0xFFFF  }
0xbe: {  	[dreg:$0x0] =	wrdreg $0xFFFFFFFF;
	(pc) =	sbr.abs _section_cstart, $3  }
0xbf: {  	[dreg:$0x1] =	wrdreg $0xFFFFFFFF  }
0xc0: {  	_ =	task.clear_ibuf [dreg:s6], $0x2FFFF;
	_ =	strace $0x9FFFFFFF  }
0xc1: {  	(tm) =	ssettm $0x7FFFFFFF  }
tec
execute0_lowered:
.L_overlay_start_1:
0x0: {  	(tag) =	ssettag $0x1  }
0x1: {  	s2 =	rddreg [dreg:$0x0]  }
0x2: {  	s0 =	rddreg [dreg:$0x1];
	s1 =	simm.s32 $0x0  }
0x3: {  	s3 =	srdreg.scid;
	s9 =	simm.s32 $0x1;
	s10 =	simm.s32 $0x0  }
0x4: {  	[smem:$0x7FF] =	sst s1;
	s5 =	sand.u32 $0x1, s3;
	s3 =	sadd.s32 $0x400, s2  }
0x5: {  	s4 =	sadd.s32 $0xC38400, s2;
	s2 =	stileid.u32;
	s6 =	ssub.s32 $0x2, s5  }
0x6: {  	_ =	strace $0x80000047;
	s31 =	sshll.u32 s2, $0x6;
	s7 =	sshrl.u32 s6, $0x1  }
0x7: {  	s8 =	sshll.u32 s5, $0x5;
	s6 =	ssub.s32 s6, s7;
	s7 =	simm.s32 $0x80  }
0x8: {  	s5 =	smax.u32 s6, $0x1;
	s6 =	sor.u32 s8, s31;
	s8 =	simm.s32 $0x400  }
.LBB2_1:
0x9: {  	s11 =	sshrl.u32 s6, $0x3  }
0xa: {  	s11 =	smul.u32 $0xC3800, s11  }
0xb: {  	s12 =	sand.u32 $0x380, s1  }
0xc: {  	s11 =	sor.u32 s12, s11  }
0xd: {  	s12 =	sshrl.u32 s11, $0x3  }
0xe: {  	s11 =	sadd.s32 s3, s12  }
0xf: {  	[tilespmem:s1], [sflag:$0x1] =	stream.strided.gather [hbm4b:s11+s7], $0x18700, s8, s7, $0x38;
	[tilespmem:$0x18700] =	vst v63  }
0x10: {  	s13 =	simm.s32 $0x80;
	s11 =	sadd.s32 $0x1, s6;
	_ =	swait.ge [sflag:s9], $0x18700  }
0x11: {  	s13 =	sand.u32 $0x380, s13;
	s14 =	sshrl.u32 s11, $0x3;
	[sflag:s9] =	ssyncset.done $0x0  }
0x12: {  	s12 =	sadd.s32 s4, s12;
	s14 =	smul.u32 $0xC3800, s14;
	[sflag:s9] =	ssyncadd.s32 $0xFFFE7900  }
0x13: {  	[hbm4b:s12+s7] =	stream.strided.scatter [tilespmem:s1], [sflag:$0x1], $0x18700, s8, s7, $0x38;
	[tilespmem:$0x18700] =	vst v63  }
0x14: {  	s13 =	sor.u32 s13, s14;
	_ =	swait.ge [sflag:s9], $0x18700  }
0x15: {  	s12 =	simm.s32 $0x100;
	s13 =	sshrl.u32 s13, $0x3;
	[sflag:s9] =	ssyncset.done $0x0  }
.LBB2_2:
0x16: {  	s14 =	sadd.s32 s3, s13;
	[sflag:s9] =	ssyncadd.s32 $0xFFFE7900  }
0x17: {  	s15 =	smov.u32 s12;
	s16 =	sadd.s32 $0x80, s12;
	s13 =	sadd.s32 s4, s13  }
0x18: {  	[tilespmem:s1], [sflag:$0x1] =	stream.strided.gather [hbm4b:s14+s7], $0x18700, s8, s7, $0x38;
	[tilespmem:$0x18700] =	vst v63  }
0x19: {  	s11 =	sadd.s32 $0x1, s11;
	p0 =	sne.s32 s12, $0xF80;
	_ =	swait.ge [sflag:s9], $0x18700  }
.Ltmp0:
0x1a: {  	s14 =	sshrl.u32 s11, $0x3;
	[sflag:s9] =	ssyncset.done $0x0;
	(pc) =	sbr.rel @p0 .LBB2_2-.Ltmp0, $4  }
0x1b: {  	s15 =	sand.u32 $0x380, s15;
	s14 =	smul.u32 $0xC3800, s14;
	[sflag:s9] =	ssyncadd.s32 $0xFFFE7900  }
0x1c: {  	[hbm4b:s13+s7] =	stream.strided.scatter [tilespmem:s1], [sflag:$0x1], $0x18700, s8, s7, $0x38;
	[tilespmem:$0x18700] =	vst v63  }
0x1d: {  	s13 =	sor.u32 s15, s14;
	_ =	swait.ge [sflag:s9], $0x18700  }
0x1e: {  	s12 =	smov.u32 s16;
	s13 =	sshrl.u32 s13, $0x3;
	[sflag:s9] =	ssyncset.done $0x0  }
0x1f: {  	s11 =	sadd.s32 s3, s13;
	[sflag:s9] =	ssyncadd.s32 $0xFFFE7900  }
0x20: {  	[tilespmem:s1], [sflag:$0x1] =	stream.strided.gather [hbm4b:s11+s7], $0x18700, s8, s7, $0x38;
	[tilespmem:$0x18700] =	vst v63  }
0x21: {  	s10 =	sadd.s32 $0x1, s10;
	_ =	swait.ge [sflag:s9], $0x18700  }
0x22: {  	p0 =	sne.s32 s10, s5;
	[sflag:s9] =	ssyncset.done $0x0  }
.Ltmp1:
0x23: {  	s31 =	sadd.s32 s4, s13;
	[sflag:s9] =	ssyncadd.s32 $0xFFFE7900;
	(pc) =	sbr.rel @p0 .LBB2_1-.Ltmp1, $4  }
0x24: {  	[hbm4b:s31+s7] =	stream.strided.scatter [tilespmem:s1], [sflag:$0x1], $0x18700, s8, s7, $0x38;
	[tilespmem:$0x18700] =	vst v63  }
0x25: {  	_ =	swait.ge [sflag:s9], $0x18700  }
0x26: {  	[sflag:s9] =	ssyncset.done $0x0  }
0x27: {  	[sflag:s9] =	ssyncadd.s32 $0xFFFE7900  }
0x28: {  	_ =	sfence.sel $0x180000  }
0x29: {  	[bflag:$0x0] =	sbarrier.arrive $0xFFFF  }
0x2a: {  	p0 =	sne.s32 s2, $0x0;
	_ =	strace $0x90000047  }
0x2b: {  	s0 =	sadd.s32 @!p0 $0x100000, s0;
	[bflag:$0x2] =	sbarrier.arrive $0xFFFF  }
0x2c: {  	[sflag:s0] =	ssyncadd.tile.s32 @!p0 $0x1;
	_ =	shalt  }
.Lfunc_end2:
_tile_overlayer_lowered:
.L_overlay_start_2:
0x2d: {  	(tag) =	ssettag $0x2  }
0x2e: {  	s0 =	rddreg [dreg:$0x0];
	s2 =	stileid.u32  }
0x2f: {  	s1 =	rddreg [dreg:$0x1];
	p0 =	sne.s32 s2, $0x0  }
0x30: {  	s3 =	rddreg [dreg:$0x2];
	[bflag:$0x3] =	sbarrier.arrive $0xFFFF;
	s2 =	simm.s32 @!p0 $0x1C01  }
0x31: {  	[timem:s3], [sflag:s2] =	dma.local @!p0 [hbm:s0], s1  }
0x32: {  	s0 =	simm.s32 @!p0 $0x1  }
0x33: {  	_ =	swait.ge @!p0 [sflag:s0], s1  }
0x34: {  	s1 =	ssub.s32 @!p0 $0x0, s1;
	[sflag:s0] =	ssyncset.done @!p0 $0x0  }
0x35: {  	[sflag:s0] =	ssyncadd.s32 @!p0 s1  }
0x36: {  	[bflag:$0x3] =	sbarrier.arrive $0xFFFF  }
0x37: {  	_ =	shalt  }

</sc_bundles>
